<compile_context>
chip_gen: v7x
topology: tpu7x:2x2x1
jax: 0.10.2.dev20260603
libtpu: 0.0.44.dev20260713+nightly
codegen_flags: <defaults>
</compile_context>

<pallas_src>
import functools

import jax
import jax.numpy as jnp
from jax import lax
from jax.experimental import pallas as pl
from jax.experimental.pallas import tpu as pltpu
from jax.experimental.pallas import tpu_sc as plsc

VOCAB = 100000
EMBD = 128
HIDDEN = 128

_INFO = plsc.get_sparse_core_info()
_NC, _NS = _INFO.num_cores, _INFO.num_subcores
_NW = _NC * _NS

_CHUNK = 128


def _proj_kernel(wv_ref, w_ref, out_ref):
    out_ref[...] = lax.dot_general(
        wv_ref[...], w_ref[...],
        dimension_numbers=(((1,), (1,)), ((), ())),
        preferred_element_type=jnp.float32,
    )


def _project_table(word_vectors, W_proj):
    rows_per_block = 10000
    grid = VOCAB // rows_per_block
    return pl.pallas_call(
        _proj_kernel,
        grid=(grid,),
        in_specs=[
            pl.BlockSpec((rows_per_block, EMBD), lambda i: (i, 0)),
            pl.BlockSpec((HIDDEN, EMBD), lambda i: (0, 0)),
        ],
        out_specs=pl.BlockSpec((rows_per_block, HIDDEN), lambda i: (i, 0)),
        out_shape=jax.ShapeDtypeStruct((VOCAB, HIDDEN), jnp.float32),
    )(word_vectors, W_proj)


_NBUF = 4
_AHEAD = 2


def _make_gather(total, d):
    assert total % (_NW * _CHUNK) == 0
    per_worker = total // _NW
    n_groups = per_worker // _CHUNK
    assert n_groups % _NBUF == 0 and n_groups >= 2 * _NBUF
    mesh = plsc.VectorSubcoreMesh(core_axis_name="c", subcore_axis_name="s")

    @functools.partial(
        pl.kernel,
        mesh=mesh,
        out_type=jax.ShapeDtypeStruct((total, d), jnp.float32),
        scratch_types=[
            pltpu.VMEM((n_groups, _CHUNK), jnp.int32),
        ]
        + [pltpu.VMEM((_CHUNK, d), jnp.float32)] * _NBUF
        + [pltpu.SemaphoreType.DMA] * (2 * _NBUF),
    )
    def gather(table_hbm, idx2d_hbm, out_hbm, idx_all,
               b0, b1, b2, b3, g0, g1, g2, g3, s0, s1, s2, s3):
        wid = lax.axis_index("s") * _NC + lax.axis_index("c")
        base = wid * per_worker
        bufs = (b0, b1, b2, b3)
        gsems = (g0, g1, g2, g3)
        ssems = (s0, s1, s2, s3)

        pltpu.sync_copy(idx2d_hbm.at[pl.ds(wid * n_groups, n_groups)], idx_all)

        def fire(grp, slot):
            pltpu.async_copy(
                table_hbm.at[idx_all.at[grp]], bufs[slot], gsems[slot])

        def drain_gather(slot):
            pltpu.make_async_copy(
                out_hbm.at[pl.ds(0, _CHUNK)], bufs[slot], gsems[slot]).wait()

        def fire_store(grp, slot):
            pltpu.async_copy(
                bufs[slot], out_hbm.at[pl.ds(base + grp * _CHUNK, _CHUNK)],
                ssems[slot])

        def drain_store(slot):
            pltpu.make_async_copy(
                bufs[slot], out_hbm.at[pl.ds(0, _CHUNK)], ssems[slot]).wait()

        for p in range(_AHEAD):
            fire(p, p)

        @pl.loop(0, n_groups, step=_NBUF)
        def _group(g):
            for p in range(_NBUF):
                grp = g + p
                q = (p + _AHEAD) % _NBUF
                drain_gather(p)
                fire_store(grp, p)

                @pl.when(grp >= 2)
                def _wait_prev_store():
                    drain_store(q)

                @pl.when(grp + _AHEAD < n_groups)
                def _refill():
                    fire(grp + _AHEAD, q)

        drain_store((n_groups - 2) % _NBUF)
        drain_store((n_groups - 1) % _NBUF)

    return gather


@jax.jit
def kernel(x, word_vectors, W_proj):
    b, s = x.shape
    proj_table = _project_table(word_vectors, W_proj)
    flat_idx = x.reshape(-1).astype(jnp.int32)
    idx2d = flat_idx.reshape(-1, _CHUNK)
    out = _make_gather(b * s, HIDDEN)(proj_table, idx2d)
    return out.reshape(b, s, HIDDEN)

# --- scband reference (transcript-rebuilt; emitter-appended) ---
"""Pipeline reference for scband-word-embedding-64372969832942 (READ-ONLY COPY).

The authoritative reference and input builder live on the scoring server;
editing this copy changes nothing except your own understanding.
"""

import jax, jax.numpy as jnp
import numpy as np

VOCAB = 100000
EMBD = 128
HIDDEN = 128
BATCH = 4096
SEQ = 200

def setup_inputs(seed: int = 0) -> dict:
    key = jax.random.key(seed)
    k1, k2, k3 = jax.random.split(key, 3)
    x = jax.random.randint(k1, (BATCH, SEQ), 0, VOCAB, dtype=jnp.int64 if jax.config.jax_enable_x64 else jnp.int32)
    word_vectors = jax.random.normal(k2, (VOCAB, EMBD), dtype=jnp.float32)
    # nn.Linear(EMBD, HIDDEN, bias=False) weight: [HIDDEN, EMBD]
    W_proj = jax.random.normal(k3, (HIDDEN, EMBD), dtype=jnp.float32) * (1.0 / np.sqrt(EMBD))
    return {"x": x, "word_vectors": word_vectors, "W_proj": W_proj}

def reference(x, word_vectors, W_proj):
    # emb = self.embedding(x)  -> gather rows from pretrained table
    emb = jnp.take(word_vectors, x, axis=0)  # [B, S, EMBD]
    # F.dropout with training=False (eval) is identity; drop_prob=0.0 anyway
    # emb = self.proj(emb)  -> Linear without bias: y = emb @ W^T
    out = jnp.einsum('bse,he->bsh', emb, W_proj)  # [B, S, HIDDEN]
    return out

if __name__ == "__main__":
    import jax
    _d = setup_inputs()
    print(jax.jit(kernel)(*tuple(_d.values())))

</pallas_src>

<mosaic_0001>
#map = affine_map<(d0, d1) -> (0, 0)>
module attributes {stable_mosaic.version = 14 : i64} {
  func.func @gather(%arg0: i32, %arg1: i32, %arg2: memref<100000x128xf32, #tpu.memory_space<hbm>>, %arg3: memref<6400x128xi32, #tpu.memory_space<hbm>>, %arg4: memref<819200x128xf32, #tpu.memory_space<hbm>>, %arg5: memref<200x128xi32, #tpu.memory_space<vmem>>, %arg6: memref<128x128xf32, #tpu.memory_space<vmem>>, %arg7: memref<128x128xf32, #tpu.memory_space<vmem>>, %arg8: memref<128x128xf32, #tpu.memory_space<vmem>>, %arg9: memref<128x128xf32, #tpu.memory_space<vmem>>, %arg10: memref<!tpu.dma_semaphore, #tpu.memory_space<semaphore_mem>>, %arg11: memref<!tpu.dma_semaphore, #tpu.memory_space<semaphore_mem>>, %arg12: memref<!tpu.dma_semaphore, #tpu.memory_space<semaphore_mem>>, %arg13: memref<!tpu.dma_semaphore, #tpu.memory_space<semaphore_mem>>, %arg14: memref<!tpu.dma_semaphore, #tpu.memory_space<semaphore_mem>>, %arg15: memref<!tpu.dma_semaphore, #tpu.memory_space<semaphore_mem>>, %arg16: memref<!tpu.dma_semaphore, #tpu.memory_space<semaphore_mem>>, %arg17: memref<!tpu.dma_semaphore, #tpu.memory_space<semaphore_mem>>) attributes {dimension_semantics = [#tpu.dimension_semantics<core_parallel>, #tpu.dimension_semantics<subcore_parallel>], iteration_bounds = array<i64: 2, 16>, scalar_prefetch = 0 : i64, scratch_operands = 13 : i64, tpu.core_type = #tpu.core_type<sc_vector_subcore>, window_params = [{transform_indices = #map}, {transform_indices = #map}, {transform_indices = #map}]} {
    %mul3A = arith.constant 2 : i32
    %mul3A_0 = arith.muli %arg1, %mul3A : i32
    %add3A = arith.addi %mul3A_0, %arg0 : i32
    %mul3A_1 = arith.constant 25600 : i32
    %mul3A_2 = arith.muli %add3A, %mul3A_1 : i32
    %mul3A_3 = arith.constant 200 : i32
    %mul3A_4 = arith.muli %add3A, %mul3A_3 : i32
    "tpu.region"() ({
      %run_scoped3A = tpu.sem_alloc : memref<!tpu.dma_semaphore, #tpu.memory_space<semaphore_mem>>
      %dma_start3A_33 = arith.constant 0 : i32
      %dma_start3A_34 = tpu.memref_slice %arg3[%mul3A_4, %dma_start3A_33] : memref<6400x128xi32, #tpu.memory_space<hbm>> -> memref<200x128xi32, #tpu.memory_space<hbm>>
      %dma_start3A_35 = arith.constant 0 : i32
      %dma_start3A_36 = tpu.memref_slice %arg3[%mul3A_4, %dma_start3A_35] : memref<6400x128xi32, #tpu.memory_space<hbm>> -> memref<200x128xi32, #tpu.memory_space<hbm>>
      tpu.enqueue_dma source(%dma_start3A_36 : memref<200x128xi32, #tpu.memory_space<hbm>>) target(%arg5 : memref<200x128xi32, #tpu.memory_space<vmem>>) target_semaphore(%run_scoped3A : memref<!tpu.dma_semaphore, #tpu.memory_space<semaphore_mem>>)
      %dma_wait3A_37 = arith.constant 0 : i32
      %dma_wait3A_38 = tpu.memref_slice %arg3[%mul3A_4, %dma_wait3A_37] : memref<6400x128xi32, #tpu.memory_space<hbm>> -> memref<200x128xi32, #tpu.memory_space<hbm>>
      %dma_wait3A_39 = arith.constant 0 : i32
      %dma_wait3A_40 = tpu.memref_slice %arg3[%mul3A_4, %dma_wait3A_39] : memref<6400x128xi32, #tpu.memory_space<hbm>> -> memref<200x128xi32, #tpu.memory_space<hbm>>
      tpu.wait_dma2 semaphore(%run_scoped3A : memref<!tpu.dma_semaphore, #tpu.memory_space<semaphore_mem>>) src(%dma_wait3A_40 : memref<200x128xi32, #tpu.memory_space<hbm>>) dst(%arg5 : memref<200x128xi32, #tpu.memory_space<vmem>>)
      tpu.yield
    }) : () -> ()
    %dma_start3A = arith.constant 0 : i32
    %dma_start3A_5 = arith.constant 0 : i32
    %dma_start3A_6 = tpu.memref_slice %arg5[%dma_start3A, %dma_start3A_5] : memref<200x128xi32, #tpu.memory_space<vmem>> -> memref<1x128xi32, #tpu.memory_space<vmem>>
    %dma_start3A_7 = tpu.memref_squeeze %dma_start3A_6 : memref<1x128xi32, #tpu.memory_space<vmem>> -> memref<128xi32, #tpu.memory_space<vmem>>
    %dma_start3A_8 = arith.constant 0 : i32
    %dma_start3A_9 = arith.constant 0 : i32
    %dma_start3A_10 = tpu.memref_slice %arg2[%dma_start3A_8, %dma_start3A_9] : memref<100000x128xf32, #tpu.memory_space<hbm>> -> memref<100000x128xf32, #tpu.memory_space<hbm>>
    tpu.enqueue_indirect_dma source(%dma_start3A_10 : memref<100000x128xf32, #tpu.memory_space<hbm>>) target(%arg6 : memref<128x128xf32, #tpu.memory_space<vmem>>) offsets(%dma_start3A_7 : memref<128xi32, #tpu.memory_space<vmem>>) semaphore(%arg10 : memref<!tpu.dma_semaphore, #tpu.memory_space<semaphore_mem>>)
    %dma_start3A_11 = arith.constant 1 : i32
    %dma_start3A_12 = arith.constant 0 : i32
    %dma_start3A_13 = tpu.memref_slice %arg5[%dma_start3A_11, %dma_start3A_12] : memref<200x128xi32, #tpu.memory_space<vmem>> -> memref<1x128xi32, #tpu.memory_space<vmem>>
    %dma_start3A_14 = tpu.memref_squeeze %dma_start3A_13 : memref<1x128xi32, #tpu.memory_space<vmem>> -> memref<128xi32, #tpu.memory_space<vmem>>
    %dma_start3A_15 = arith.constant 0 : i32
    %dma_start3A_16 = arith.constant 0 : i32
    %dma_start3A_17 = tpu.memref_slice %arg2[%dma_start3A_15, %dma_start3A_16] : memref<100000x128xf32, #tpu.memory_space<hbm>> -> memref<100000x128xf32, #tpu.memory_space<hbm>>
    tpu.enqueue_indirect_dma source(%dma_start3A_17 : memref<100000x128xf32, #tpu.memory_space<hbm>>) target(%arg7 : memref<128x128xf32, #tpu.memory_space<vmem>>) offsets(%dma_start3A_14 : memref<128xi32, #tpu.memory_space<vmem>>) semaphore(%arg11 : memref<!tpu.dma_semaphore, #tpu.memory_space<semaphore_mem>>)
    %scan3A = arith.constant 0 : i32
    %scan3A_18 = arith.constant 50 : i32
    %scan3A_19 = arith.addi %scan3A, %scan3A_18 : i32
    %scan3A_20 = arith.constant 1 : i32
    scf.for %scan3A_33 = %scan3A to %scan3A_19 step %scan3A_20  : i32 {
      %mul3A_34 = arith.constant 4 : i32
      %mul3A_35 = arith.muli %scan3A_33, %mul3A_34 : i32
      %add3A_36 = arith.constant 0 : i32
      %add3A_37 = arith.addi %add3A_36, %mul3A_35 : i32
      %add3A_38 = arith.constant 0 : i32
      %add3A_39 = arith.addi %add3A_37, %add3A_38 : i32
      %dma_wait3A_40 = arith.constant 0 : i32
      %dma_wait3A_41 = arith.constant 0 : i32
      %dma_wait3A_42 = tpu.memref_slice %arg4[%dma_wait3A_40, %dma_wait3A_41] : memref<819200x128xf32, #tpu.memory_space<hbm>> -> memref<128x128xf32, #tpu.memory_space<hbm>>
      %dma_wait3A_43 = arith.constant 0 : i32
      %dma_wait3A_44 = arith.constant 0 : i32
      %dma_wait3A_45 = tpu.memref_slice %arg4[%dma_wait3A_43, %dma_wait3A_44] : memref<819200x128xf32, #tpu.memory_space<hbm>> -> memref<128x128xf32, #tpu.memory_space<hbm>>
      tpu.wait_dma2 semaphore(%arg10 : memref<!tpu.dma_semaphore, #tpu.memory_space<semaphore_mem>>) src(%dma_wait3A_45 : memref<128x128xf32, #tpu.memory_space<hbm>>) dst(%arg6 : memref<128x128xf32, #tpu.memory_space<vmem>>)
      %mul3A_46 = arith.constant 128 : i32
      %mul3A_47 = arith.muli %add3A_39, %mul3A_46 : i32
      %add3A_48 = arith.addi %mul3A_2, %mul3A_47 : i32
      %dma_start3A_49 = arith.constant 0 : i32
      %dma_start3A_50 = tpu.memref_slice %arg4[%add3A_48, %dma_start3A_49] : memref<819200x128xf32, #tpu.memory_space<hbm>> -> memref<128x128xf32, #tpu.memory_space<hbm>>
      %dma_start3A_51 = arith.constant 0 : i32
      %dma_start3A_52 = tpu.memref_slice %arg4[%add3A_48, %dma_start3A_51] : memref<819200x128xf32, #tpu.memory_space<hbm>> -> memref<128x128xf32, #tpu.memory_space<hbm>>
      tpu.enqueue_dma source(%arg6 : memref<128x128xf32, #tpu.memory_space<vmem>>) target(%dma_start3A_52 : memref<128x128xf32, #tpu.memory_space<hbm>>) target_semaphore(%arg14 : memref<!tpu.dma_semaphore, #tpu.memory_space<semaphore_mem>>)
      %ge3A = arith.constant 2 : i32
      %ge3A_53 = arith.cmpi sge, %add3A_39, %ge3A : i32
      %convert_element_type3A = arith.extui %ge3A_53 : i1 to i32
      %cond3A = arith.constant 0 : i32
      %cond3A_54 = arith.cmpi ne, %convert_element_type3A, %cond3A : i32
      scf.if %cond3A_54 {
        %dma_wait3A_142 = arith.constant 0 : i32
        %dma_wait3A_143 = arith.constant 0 : i32
        %dma_wait3A_144 = tpu.memref_slice %arg4[%dma_wait3A_142, %dma_wait3A_143] : memref<819200x128xf32, #tpu.memory_space<hbm>> -> memref<128x128xf32, #tpu.memory_space<hbm>>
        %dma_wait3A_145 = arith.constant 0 : i32
        %dma_wait3A_146 = arith.constant 0 : i32
        %dma_wait3A_147 = tpu.memref_slice %arg4[%dma_wait3A_145, %dma_wait3A_146] : memref<819200x128xf32, #tpu.memory_space<hbm>> -> memref<128x128xf32, #tpu.memory_space<hbm>>
        tpu.wait_dma2 semaphore(%arg16 : memref<!tpu.dma_semaphore, #tpu.memory_space<semaphore_mem>>) src(%arg8 : memref<128x128xf32, #tpu.memory_space<vmem>>) dst(%dma_wait3A_147 : memref<128x128xf32, #tpu.memory_space<hbm>>)
      } else {
      }
      %add3A_55 = arith.constant 2 : i32
      %add3A_56 = arith.addi %add3A_39, %add3A_55 : i32
      %lt3A = arith.constant 200 : i32
      %lt3A_57 = arith.cmpi slt, %add3A_56, %lt3A : i32
      %convert_element_type3A_58 = arith.extui %lt3A_57 : i1 to i32
      %cond3A_59 = arith.constant 0 : i32
      %cond3A_60 = arith.cmpi ne, %convert_element_type3A_58, %cond3A_59 : i32
      scf.if %cond3A_60 {
        %add3A_142 = arith.constant 2 : i32
        %add3A_143 = arith.addi %add3A_39, %add3A_142 : i32
        %dma_start3A_144 = arith.constant 0 : i32
        %dma_start3A_145 = tpu.memref_slice %arg5[%add3A_143, %dma_start3A_144] : memref<200x128xi32, #tpu.memory_space<vmem>> -> memref<1x128xi32, #tpu.memory_space<vmem>>
        %dma_start3A_146 = tpu.memref_squeeze %dma_start3A_145 : memref<1x128xi32, #tpu.memory_space<vmem>> -> memref<128xi32, #tpu.memory_space<vmem>>
        %dma_start3A_147 = arith.constant 0 : i32
        %dma_start3A_148 = arith.constant 0 : i32
        %dma_start3A_149 = tpu.memref_slice %arg2[%dma_start3A_147, %dma_start3A_148] : memref<100000x128xf32, #tpu.memory_space<hbm>> -> memref<100000x128xf32, #tpu.memory_space<hbm>>
        tpu.enqueue_indirect_dma source(%dma_start3A_149 : memref<100000x128xf32, #tpu.memory_space<hbm>>) target(%arg8 : memref<128x128xf32, #tpu.memory_space<vmem>>) offsets(%dma_start3A_146 : memref<128xi32, #tpu.memory_space<vmem>>) semaphore(%arg12 : memref<!tpu.dma_semaphore, #tpu.memory_space<semaphore_mem>>)
      } else {
      }
      %add3A_61 = arith.constant 1 : i32
      %add3A_62 = arith.addi %add3A_37, %add3A_61 : i32
      %dma_wait3A_63 = arith.constant 0 : i32
      %dma_wait3A_64 = arith.constant 0 : i32
      %dma_wait3A_65 = tpu.memref_slice %arg4[%dma_wait3A_63, %dma_wait3A_64] : memref<819200x128xf32, #tpu.memory_space<hbm>> -> memref<128x128xf32, #tpu.memory_space<hbm>>
      %dma_wait3A_66 = arith.constant 0 : i32
      %dma_wait3A_67 = arith.constant 0 : i32
      %dma_wait3A_68 = tpu.memref_slice %arg4[%dma_wait3A_66, %dma_wait3A_67] : memref<819200x128xf32, #tpu.memory_space<hbm>> -> memref<128x128xf32, #tpu.memory_space<hbm>>
      tpu.wait_dma2 semaphore(%arg11 : memref<!tpu.dma_semaphore, #tpu.memory_space<semaphore_mem>>) src(%dma_wait3A_68 : memref<128x128xf32, #tpu.memory_space<hbm>>) dst(%arg7 : memref<128x128xf32, #tpu.memory_space<vmem>>)
      %mul3A_69 = arith.constant 128 : i32
      %mul3A_70 = arith.muli %add3A_62, %mul3A_69 : i32
      %add3A_71 = arith.addi %mul3A_2, %mul3A_70 : i32
      %dma_start3A_72 = arith.constant 0 : i32
      %dma_start3A_73 = tpu.memref_slice %arg4[%add3A_71, %dma_start3A_72] : memref<819200x128xf32, #tpu.memory_space<hbm>> -> memref<128x128xf32, #tpu.memory_space<hbm>>
      %dma_start3A_74 = arith.constant 0 : i32
      %dma_start3A_75 = tpu.memref_slice %arg4[%add3A_71, %dma_start3A_74] : memref<819200x128xf32, #tpu.memory_space<hbm>> -> memref<128x128xf32, #tpu.memory_space<hbm>>
      tpu.enqueue_dma source(%arg7 : memref<128x128xf32, #tpu.memory_space<vmem>>) target(%dma_start3A_75 : memref<128x128xf32, #tpu.memory_space<hbm>>) target_semaphore(%arg15 : memref<!tpu.dma_semaphore, #tpu.memory_space<semaphore_mem>>)
      %ge3A_76 = arith.constant 2 : i32
      %ge3A_77 = arith.cmpi sge, %add3A_62, %ge3A_76 : i32
      %convert_element_type3A_78 = arith.extui %ge3A_77 : i1 to i32
      %cond3A_79 = arith.constant 0 : i32
      %cond3A_80 = arith.cmpi ne, %convert_element_type3A_78, %cond3A_79 : i32
      scf.if %cond3A_80 {
        %dma_wait3A_142 = arith.constant 0 : i32
        %dma_wait3A_143 = arith.constant 0 : i32
        %dma_wait3A_144 = tpu.memref_slice %arg4[%dma_wait3A_142, %dma_wait3A_143] : memref<819200x128xf32, #tpu.memory_space<hbm>> -> memref<128x128xf32, #tpu.memory_space<hbm>>
        %dma_wait3A_145 = arith.constant 0 : i32
        %dma_wait3A_146 = arith.constant 0 : i32
        %dma_wait3A_147 = tpu.memref_slice %arg4[%dma_wait3A_145, %dma_wait3A_146] : memref<819200x128xf32, #tpu.memory_space<hbm>> -> memref<128x128xf32, #tpu.memory_space<hbm>>
        tpu.wait_dma2 semaphore(%arg17 : memref<!tpu.dma_semaphore, #tpu.memory_space<semaphore_mem>>) src(%arg9 : memref<128x128xf32, #tpu.memory_space<vmem>>) dst(%dma_wait3A_147 : memref<128x128xf32, #tpu.memory_space<hbm>>)
      } else {
      }
      %add3A_81 = arith.constant 2 : i32
      %add3A_82 = arith.addi %add3A_62, %add3A_81 : i32
      %lt3A_83 = arith.constant 200 : i32
      %lt3A_84 = arith.cmpi slt, %add3A_82, %lt3A_83 : i32
      %convert_element_type3A_85 = arith.extui %lt3A_84 : i1 to i32
      %cond3A_86 = arith.constant 0 : i32
      %cond3A_87 = arith.cmpi ne, %convert_element_type3A_85, %cond3A_86 : i32
      scf.if %cond3A_87 {
        %add3A_142 = arith.constant 2 : i32
        %add3A_143 = arith.addi %add3A_62, %add3A_142 : i32
        %dma_start3A_144 = arith.constant 0 : i32
        %dma_start3A_145 = tpu.memref_slice %arg5[%add3A_143, %dma_start3A_144] : memref<200x128xi32, #tpu.memory_space<vmem>> -> memref<1x128xi32, #tpu.memory_space<vmem>>
        %dma_start3A_146 = tpu.memref_squeeze %dma_start3A_145 : memref<1x128xi32, #tpu.memory_space<vmem>> -> memref<128xi32, #tpu.memory_space<vmem>>
        %dma_start3A_147 = arith.constant 0 : i32
        %dma_start3A_148 = arith.constant 0 : i32
        %dma_start3A_149 = tpu.memref_slice %arg2[%dma_start3A_147, %dma_start3A_148] : memref<100000x128xf32, #tpu.memory_space<hbm>> -> memref<100000x128xf32, #tpu.memory_space<hbm>>
        tpu.enqueue_indirect_dma source(%dma_start3A_149 : memref<100000x128xf32, #tpu.memory_space<hbm>>) target(%arg9 : memref<128x128xf32, #tpu.memory_space<vmem>>) offsets(%dma_start3A_146 : memref<128xi32, #tpu.memory_space<vmem>>) semaphore(%arg13 : memref<!tpu.dma_semaphore, #tpu.memory_space<semaphore_mem>>)
      } else {
      }
      %add3A_88 = arith.constant 2 : i32
      %add3A_89 = arith.addi %add3A_37, %add3A_88 : i32
      %dma_wait3A_90 = arith.constant 0 : i32
      %dma_wait3A_91 = arith.constant 0 : i32
      %dma_wait3A_92 = tpu.memref_slice %arg4[%dma_wait3A_90, %dma_wait3A_91] : memref<819200x128xf32, #tpu.memory_space<hbm>> -> memref<128x128xf32, #tpu.memory_space<hbm>>
      %dma_wait3A_93 = arith.constant 0 : i32
      %dma_wait3A_94 = arith.constant 0 : i32
      %dma_wait3A_95 = tpu.memref_slice %arg4[%dma_wait3A_93, %dma_wait3A_94] : memref<819200x128xf32, #tpu.memory_space<hbm>> -> memref<128x128xf32, #tpu.memory_space<hbm>>
      tpu.wait_dma2 semaphore(%arg12 : memref<!tpu.dma_semaphore, #tpu.memory_space<semaphore_mem>>) src(%dma_wait3A_95 : memref<128x128xf32, #tpu.memory_space<hbm>>) dst(%arg8 : memref<128x128xf32, #tpu.memory_space<vmem>>)
      %mul3A_96 = arith.constant 128 : i32
      %mul3A_97 = arith.muli %add3A_89, %mul3A_96 : i32
      %add3A_98 = arith.addi %mul3A_2, %mul3A_97 : i32
      %dma_start3A_99 = arith.constant 0 : i32
      %dma_start3A_100 = tpu.memref_slice %arg4[%add3A_98, %dma_start3A_99] : memref<819200x128xf32, #tpu.memory_space<hbm>> -> memref<128x128xf32, #tpu.memory_space<hbm>>
      %dma_start3A_101 = arith.constant 0 : i32
      %dma_start3A_102 = tpu.memref_slice %arg4[%add3A_98, %dma_start3A_101] : memref<819200x128xf32, #tpu.memory_space<hbm>> -> memref<128x128xf32, #tpu.memory_space<hbm>>
      tpu.enqueue_dma source(%arg8 : memref<128x128xf32, #tpu.memory_space<vmem>>) target(%dma_start3A_102 : memref<128x128xf32, #tpu.memory_space<hbm>>) target_semaphore(%arg16 : memref<!tpu.dma_semaphore, #tpu.memory_space<semaphore_mem>>)
      %ge3A_103 = arith.constant 2 : i32
      %ge3A_104 = arith.cmpi sge, %add3A_89, %ge3A_103 : i32
      %convert_element_type3A_105 = arith.extui %ge3A_104 : i1 to i32
      %cond3A_106 = arith.constant 0 : i32
      %cond3A_107 = arith.cmpi ne, %convert_element_type3A_105, %cond3A_106 : i32
      scf.if %cond3A_107 {
        %dma_wait3A_142 = arith.constant 0 : i32
        %dma_wait3A_143 = arith.constant 0 : i32
        %dma_wait3A_144 = tpu.memref_slice %arg4[%dma_wait3A_142, %dma_wait3A_143] : memref<819200x128xf32, #tpu.memory_space<hbm>> -> memref<128x128xf32, #tpu.memory_space<hbm>>
        %dma_wait3A_145 = arith.constant 0 : i32
        %dma_wait3A_146 = arith.constant 0 : i32
        %dma_wait3A_147 = tpu.memref_slice %arg4[%dma_wait3A_145, %dma_wait3A_146] : memref<819200x128xf32, #tpu.memory_space<hbm>> -> memref<128x128xf32, #tpu.memory_space<hbm>>
        tpu.wait_dma2 semaphore(%arg14 : memref<!tpu.dma_semaphore, #tpu.memory_space<semaphore_mem>>) src(%arg6 : memref<128x128xf32, #tpu.memory_space<vmem>>) dst(%dma_wait3A_147 : memref<128x128xf32, #tpu.memory_space<hbm>>)
      } else {
      }
      %add3A_108 = arith.constant 2 : i32
      %add3A_109 = arith.addi %add3A_89, %add3A_108 : i32
      %lt3A_110 = arith.constant 200 : i32
      %lt3A_111 = arith.cmpi slt, %add3A_109, %lt3A_110 : i32
      %convert_element_type3A_112 = arith.extui %lt3A_111 : i1 to i32
      %cond3A_113 = arith.constant 0 : i32
      %cond3A_114 = arith.cmpi ne, %convert_element_type3A_112, %cond3A_113 : i32
      scf.if %cond3A_114 {
        %add3A_142 = arith.constant 2 : i32
        %add3A_143 = arith.addi %add3A_89, %add3A_142 : i32
        %dma_start3A_144 = arith.constant 0 : i32
        %dma_start3A_145 = tpu.memref_slice %arg5[%add3A_143, %dma_start3A_144] : memref<200x128xi32, #tpu.memory_space<vmem>> -> memref<1x128xi32, #tpu.memory_space<vmem>>
        %dma_start3A_146 = tpu.memref_squeeze %dma_start3A_145 : memref<1x128xi32, #tpu.memory_space<vmem>> -> memref<128xi32, #tpu.memory_space<vmem>>
        %dma_start3A_147 = arith.constant 0 : i32
        %dma_start3A_148 = arith.constant 0 : i32
        %dma_start3A_149 = tpu.memref_slice %arg2[%dma_start3A_147, %dma_start3A_148] : memref<100000x128xf32, #tpu.memory_space<hbm>> -> memref<100000x128xf32, #tpu.memory_space<hbm>>
        tpu.enqueue_indirect_dma source(%dma_start3A_149 : memref<100000x128xf32, #tpu.memory_space<hbm>>) target(%arg6 : memref<128x128xf32, #tpu.memory_space<vmem>>) offsets(%dma_start3A_146 : memref<128xi32, #tpu.memory_space<vmem>>) semaphore(%arg10 : memref<!tpu.dma_semaphore, #tpu.memory_space<semaphore_mem>>)
      } else {
      }
      %add3A_115 = arith.constant 3 : i32
      %add3A_116 = arith.addi %add3A_37, %add3A_115 : i32
      %dma_wait3A_117 = arith.constant 0 : i32
      %dma_wait3A_118 = arith.constant 0 : i32
      %dma_wait3A_119 = tpu.memref_slice %arg4[%dma_wait3A_117, %dma_wait3A_118] : memref<819200x128xf32, #tpu.memory_space<hbm>> -> memref<128x128xf32, #tpu.memory_space<hbm>>
      %dma_wait3A_120 = arith.constant 0 : i32
      %dma_wait3A_121 = arith.constant 0 : i32
      %dma_wait3A_122 = tpu.memref_slice %arg4[%dma_wait3A_120, %dma_wait3A_121] : memref<819200x128xf32, #tpu.memory_space<hbm>> -> memref<128x128xf32, #tpu.memory_space<hbm>>
      tpu.wait_dma2 semaphore(%arg13 : memref<!tpu.dma_semaphore, #tpu.memory_space<semaphore_mem>>) src(%dma_wait3A_122 : memref<128x128xf32, #tpu.memory_space<hbm>>) dst(%arg9 : memref<128x128xf32, #tpu.memory_space<vmem>>)
      %mul3A_123 = arith.constant 128 : i32
      %mul3A_124 = arith.muli %add3A_116, %mul3A_123 : i32
      %add3A_125 = arith.addi %mul3A_2, %mul3A_124 : i32
      %dma_start3A_126 = arith.constant 0 : i32
      %dma_start3A_127 = tpu.memref_slice %arg4[%add3A_125, %dma_start3A_126] : memref<819200x128xf32, #tpu.memory_space<hbm>> -> memref<128x128xf32, #tpu.memory_space<hbm>>
      %dma_start3A_128 = arith.constant 0 : i32
      %dma_start3A_129 = tpu.memref_slice %arg4[%add3A_125, %dma_start3A_128] : memref<819200x128xf32, #tpu.memory_space<hbm>> -> memref<128x128xf32, #tpu.memory_space<hbm>>
      tpu.enqueue_dma source(%arg9 : memref<128x128xf32, #tpu.memory_space<vmem>>) target(%dma_start3A_129 : memref<128x128xf32, #tpu.memory_space<hbm>>) target_semaphore(%arg17 : memref<!tpu.dma_semaphore, #tpu.memory_space<semaphore_mem>>)
      %ge3A_130 = arith.constant 2 : i32
      %ge3A_131 = arith.cmpi sge, %add3A_116, %ge3A_130 : i32
      %convert_element_type3A_132 = arith.extui %ge3A_131 : i1 to i32
      %cond3A_133 = arith.constant 0 : i32
      %cond3A_134 = arith.cmpi ne, %convert_element_type3A_132, %cond3A_133 : i32
      scf.if %cond3A_134 {
        %dma_wait3A_142 = arith.constant 0 : i32
        %dma_wait3A_143 = arith.constant 0 : i32
        %dma_wait3A_144 = tpu.memref_slice %arg4[%dma_wait3A_142, %dma_wait3A_143] : memref<819200x128xf32, #tpu.memory_space<hbm>> -> memref<128x128xf32, #tpu.memory_space<hbm>>
        %dma_wait3A_145 = arith.constant 0 : i32
        %dma_wait3A_146 = arith.constant 0 : i32
        %dma_wait3A_147 = tpu.memref_slice %arg4[%dma_wait3A_145, %dma_wait3A_146] : memref<819200x128xf32, #tpu.memory_space<hbm>> -> memref<128x128xf32, #tpu.memory_space<hbm>>
        tpu.wait_dma2 semaphore(%arg15 : memref<!tpu.dma_semaphore, #tpu.memory_space<semaphore_mem>>) src(%arg7 : memref<128x128xf32, #tpu.memory_space<vmem>>) dst(%dma_wait3A_147 : memref<128x128xf32, #tpu.memory_space<hbm>>)
      } else {
      }
      %add3A_135 = arith.constant 2 : i32
      %add3A_136 = arith.addi %add3A_116, %add3A_135 : i32
      %lt3A_137 = arith.constant 200 : i32
      %lt3A_138 = arith.cmpi slt, %add3A_136, %lt3A_137 : i32
      %convert_element_type3A_139 = arith.extui %lt3A_138 : i1 to i32
      %cond3A_140 = arith.constant 0 : i32
      %cond3A_141 = arith.cmpi ne, %convert_element_type3A_139, %cond3A_140 : i32
      scf.if %cond3A_141 {
        %add3A_142 = arith.constant 2 : i32
        %add3A_143 = arith.addi %add3A_116, %add3A_142 : i32
        %dma_start3A_144 = arith.constant 0 : i32
        %dma_start3A_145 = tpu.memref_slice %arg5[%add3A_143, %dma_start3A_144] : memref<200x128xi32, #tpu.memory_space<vmem>> -> memref<1x128xi32, #tpu.memory_space<vmem>>
        %dma_start3A_146 = tpu.memref_squeeze %dma_start3A_145 : memref<1x128xi32, #tpu.memory_space<vmem>> -> memref<128xi32, #tpu.memory_space<vmem>>
        %dma_start3A_147 = arith.constant 0 : i32
        %dma_start3A_148 = arith.constant 0 : i32
        %dma_start3A_149 = tpu.memref_slice %arg2[%dma_start3A_147, %dma_start3A_148] : memref<100000x128xf32, #tpu.memory_space<hbm>> -> memref<100000x128xf32, #tpu.memory_space<hbm>>
        tpu.enqueue_indirect_dma source(%dma_start3A_149 : memref<100000x128xf32, #tpu.memory_space<hbm>>) target(%arg7 : memref<128x128xf32, #tpu.memory_space<vmem>>) offsets(%dma_start3A_146 : memref<128xi32, #tpu.memory_space<vmem>>) semaphore(%arg11 : memref<!tpu.dma_semaphore, #tpu.memory_space<semaphore_mem>>)
      } else {
      }
    }
    %scan3A_21 = arith.constant 50 : i32
    %dma_wait3A = arith.constant 0 : i32
    %dma_wait3A_22 = arith.constant 0 : i32
    %dma_wait3A_23 = tpu.memref_slice %arg4[%dma_wait3A, %dma_wait3A_22] : memref<819200x128xf32, #tpu.memory_space<hbm>> -> memref<128x128xf32, #tpu.memory_space<hbm>>
    %dma_wait3A_24 = arith.constant 0 : i32
    %dma_wait3A_25 = arith.constant 0 : i32
    %dma_wait3A_26 = tpu.memref_slice %arg4[%dma_wait3A_24, %dma_wait3A_25] : memref<819200x128xf32, #tpu.memory_space<hbm>> -> memref<128x128xf32, #tpu.memory_space<hbm>>
    tpu.wait_dma2 semaphore(%arg16 : memref<!tpu.dma_semaphore, #tpu.memory_space<semaphore_mem>>) src(%arg8 : memref<128x128xf32, #tpu.memory_space<vmem>>) dst(%dma_wait3A_26 : memref<128x128xf32, #tpu.memory_space<hbm>>)
    %dma_wait3A_27 = arith.constant 0 : i32
    %dma_wait3A_28 = arith.constant 0 : i32
    %dma_wait3A_29 = tpu.memref_slice %arg4[%dma_wait3A_27, %dma_wait3A_28] : memref<819200x128xf32, #tpu.memory_space<hbm>> -> memref<128x128xf32, #tpu.memory_space<hbm>>
    %dma_wait3A_30 = arith.constant 0 : i32
    %dma_wait3A_31 = arith.constant 0 : i32
    %dma_wait3A_32 = tpu.memref_slice %arg4[%dma_wait3A_30, %dma_wait3A_31] : memref<819200x128xf32, #tpu.memory_space<hbm>> -> memref<128x128xf32, #tpu.memory_space<hbm>>
    tpu.wait_dma2 semaphore(%arg17 : memref<!tpu.dma_semaphore, #tpu.memory_space<semaphore_mem>>) src(%arg9 : memref<128x128xf32, #tpu.memory_space<vmem>>) dst(%dma_wait3A_32 : memref<128x128xf32, #tpu.memory_space<hbm>>)
    return
  }
}

module attributes {stable_mosaic.version = 14 : i64} {
  func.func @_proj_kernel(%arg0: i32, %arg1: memref<10000x128xf32, #tpu.memory_space<vmem>>, %arg2: memref<128x128xf32, #tpu.memory_space<vmem>>, %arg3: memref<10000x128xf32, #tpu.memory_space<vmem>>) attributes {dimension_semantics = [#tpu.dimension_semantics<arbitrary>], iteration_bounds = array<i64: 10>, scalar_prefetch = 0 : i64, scratch_operands = 0 : i64, tpu.core_type = #tpu.core_type<tc>, window_params = [{transform_indices = @transform_0, window_bounds = array<i64: 10000, 128>}, {pipeline_mode = #tpu.pipeline_mode<synchronous>, transform_indices = @transform_1, window_bounds = array<i64: 128, 128>}, {transform_indices = @transform_2, window_bounds = array<i64: 10000, 128>}]} {
    %get3A = arith.constant 0 : index
    %get3A_0 = arith.constant 0 : index
    %get3A_1 = vector.load %arg1[%get3A, %get3A_0] : memref<10000x128xf32, #tpu.memory_space<vmem>>, vector<10000x128xf32>
    %get3A_2 = arith.constant 0 : index
    %get3A_3 = arith.constant 0 : index
    %get3A_4 = vector.load %arg2[%get3A_2, %get3A_3] : memref<128x128xf32, #tpu.memory_space<vmem>>, vector<128x128xf32>
    %dot_general3A = arith.constant dense<0.000000e+00> : vector<10000x128xf32>
    %dot_general3A_5 = tpu.matmul %get3A_1, %get3A_4, %dot_general3A {dimension_numbers = #tpu.dot_dimension_numbers<[1], [1], [0], [0], [0, 0, 1, 0], [], []>, transpose_lhs_hint = false} : vector<10000x128xf32>, vector<128x128xf32>, vector<10000x128xf32> -> vector<10000x128xf32>
    %swap3A = arith.constant 0 : index
    %swap3A_6 = arith.constant 0 : index
    %swap3A_7 = vector.load %arg3[%swap3A, %swap3A_6] : memref<10000x128xf32, #tpu.memory_space<vmem>>, vector<10000x128xf32>
    tpu.vector_store %arg3[%swap3A, %swap3A_6], %dot_general3A_5 {strides = array<i32>} : memref<10000x128xf32, #tpu.memory_space<vmem>>, vector<10000x128xf32>,
    return
  }
  func.func @transform_0(%arg0: i32) -> (i32, i32) {
    %c0_i32 = arith.constant 0 : i32
    %c0_i32_0 = arith.constant 0 : i32
    return %arg0, %c0_i32 : i32, i32
  }
  func.func @transform_1(%arg0: i32) -> (i32, i32) {
    %c0_i32 = arith.constant 0 : i32
    %c0_i32_0 = arith.constant 0 : i32
    %c0_i32_1 = arith.constant 0 : i32
    return %c0_i32, %c0_i32_0 : i32, i32
  }
  func.func @transform_2(%arg0: i32) -> (i32, i32) {
    %c0_i32 = arith.constant 0 : i32
    %c0_i32_0 = arith.constant 0 : i32
    return %arg0, %c0_i32 : i32, i32
  }
}

</mosaic_0001>

<sc_bundles>
// kernel: kernel.4.cloned.1.call-start
scs
__scs_entry_jumppad:
0x0: {  	(pc) =	sbr.rel $0x88, $3  }
0x1: {  	(tag) =	ssettag $0x0;
	lr =	simm.s32 $0x1  }
0x2: {  	[smem:$0x3F9E] =	sst lr;
	_ =	strace $0xD0000000  }
0x3: {  	_ = 	snop  }
0x4: {  	_ = 	snop  }
0x5: {  	_ = 	snop  }
0x6: {  	_ = 	snop  }
0x7: {  	_ = 	snop  }
__scs_overlays_trampoline_lowered:
0x8: {  	[smem:$0x3FAD] =	sst s0  }
0x9: {  	[smem:$0x3FAE] =	sst s1  }
0xa: {  	[smem:$0x3FAF] =	sst s2  }
0xb: {  	[smem:$0x3FB0] =	sst s3  }
0xc: {  	[smem:$0x3FB1] =	sst s4  }
0xd: {  	[smem:$0x3FB2] =	sst s5  }
0xe: {  	[smem:$0x3FB3] =	sst s6  }
0xf: {  	[smem:$0x3FB4] =	sst s7  }
0x10: {  	[smem:$0x3FB5] =	sst s8  }
0x11: {  	[smem:$0x3FB6] =	sst s9;
	s0 =	simm.s32 @!p0 $0x0  }
0x12: {  	s1 =	sld [smem:$0x3F9C];
	s0 =	simm.s32 @p0 $0x1  }
0x13: {  	[smem:$0x3FB7] =	sst s0;
	s0 =	simm.s32 @!p1 $0x0  }
0x14: {  	s2 =	sld [smem:$0x3F9B];
	s0 =	simm.s32 @p1 $0x1  }
0x15: {  	[smem:$0x3FB8] =	sst s0;
	s0 =	simm.s32 @!p2 $0x0  }
0x16: {  	s3 =	sld [smem:$0x3FDB];
	s0 =	simm.s32 @p2 $0x1  }
0x17: {  	s4 =	simm.s32 $0x1BF5;
	[smem:$0x3FBA] =	sst s0  }
0x18: {  	s0 =	sld [smem:$0x3F9D];
	_ =	swait.ge [sflag:s4], $0x0  }
0x19: {  	s7 =	sld [smem:$0x3F9E]  }
0x1a: {  	s8 =	sadd.s32 $0xFFFFE003, lr  }
0x1b: {  	s9 =	sadd.s32 $0xFFFFFEF7, lr;
	s5 =	simm.s32 $0xFFFFFFFF;
	p2 =	slt.u32 s8, $0xFFFFF086  }
0x1c: {  	p1 =	slt.u32 s9, $0xF7A;
	s5 =	simm.s32 @!p2 $0x0  }
0x1d: {  	s5 =	simm.s32 @p1 $0x1;
	p0 =	seq.s32 s7, s2  }
0x1e: {  	s7 =	smul.u32 @!p0 $0xF7A, s2;
	p2 =	seq.s32 @!p0 s5, $0x0  }
0x1f: {  	s9 =	smul.u32 $0xF7A, s1;
	s8 =	simm.s32 @!p0 $0x1BF5;
	p2 =	por !p2, p0  }
0x20: {  	[sflag:s8] =	ssyncset.s32 @!p0 $0xFFFFF086;
	s6 =	sadd.s32 @!p0 s3, s7;
	s7 =	simm.s32 @!p0 $0x108  }
0x21: {  	s3 =	sadd.s32 s3, s9;
	s6 =	sadd.s32 @!p0 $0x88, s6;
	s7 =	simm.s32 @p2 $0x1082  }
0x22: {  	[simem:s7], [sflag:s8] =	dma.local @!p0 [hbm:s6], $0xF7A  }
0x23: {  	s9 =	sor.u32 $0xD0000000, s2;
	s6 =	simm.s32 $0x108;
	_ =	swait.ge @!p0 [sflag:s8], $0x0  }
0x24: {  	s3 =	sadd.s32 $0x88, s3;
	s6 =	simm.s32 @!p1 $0x1082;
	[sflag:s4] =	ssyncset.s32 $0xFFFFF086  }
0x25: {  	[simem:s6], [sflag:s4] =	dma.local [hbm:s3], $0xF7A  }
0x26: {  	[smem:$0x3F9E] =	sst s1;
	(tag) =	ssettag s2;
	_ =	strace s9  }
0x27: {  	s1 =	sld [smem:$0x3FAE]  }
0x28: {  	s2 =	sld [smem:$0x3FAF]  }
0x29: {  	s4 =	sld [smem:$0x3FB1]  }
0x2a: {  	p0 =	seq.s32 s5, $0x0;
	s5 =	sld [smem:$0x3FB2]  }
0x2b: {  	s6 =	sld [smem:$0x3FB3]  }
0x2c: {  	s7 =	sld [smem:$0x3FB4]  }
0x2d: {  	s3 =	simm.s32 $0x108;
	s8 =	sld [smem:$0x3FB5]  }
0x2e: {  	s3 =	simm.s32 @!p0 $0x1082;
	s9 =	sld [smem:$0x3FB6]  }
0x2f: {  	lr =	sadd.s32 s0, s3;
	s0 =	sld [smem:$0x3FAD]  }
0x30: {  	s3 =	sld [smem:$0x3FB0]  }
0x31: {  	[smem:$0x3FB9] =	sst s10  }
0x32: {  	s10 =	sld [smem:$0x3FB7];
	_ =	sdelay $0x3  }
0x33: {  	p0 =	seq.s32 s10, $0x1;
	s10 =	sld [smem:$0x3FB9];
	_ =	sdelay $0x3  }
0x34: {  	[smem:$0x3FB9] =	sst s10  }
0x35: {  	s10 =	sld [smem:$0x3FB8];
	_ =	sdelay $0x3  }
0x36: {  	p1 =	seq.s32 s10, $0x1;
	s10 =	sld [smem:$0x3FB9];
	_ =	sdelay $0x3  }
0x37: {  	[smem:$0x3FB9] =	sst s10  }
0x38: {  	s10 =	sld [smem:$0x3FBA]  }
0x39: {  	_ = 	snop;
	(pc) =	sbr.ind lr, $3  }
0x3a: {  	_ = 	snop  }
0x3b: {  	_ = 	snop  }
0x3c: {  	p2 =	seq.s32 s10, $0x1;
	s10 =	sld [smem:$0x3FB9]  }
0x3d: {  	_ =	shalt  }
0x3e: {  	_ =	shalt  }
0x3f: {  	_ =	shalt  }
0x40: {  	_ =	shalt  }
0x41: {  	_ =	shalt  }
0x42: {  	_ =	shalt  }
0x43: {  	_ =	shalt  }
0x44: {  	_ =	shalt  }
0x45: {  	_ =	shalt  }
0x46: {  	_ =	shalt  }
0x47: {  	_ =	shalt  }
0x48: {  	_ =	shalt  }
0x49: {  	_ =	shalt  }
0x4a: {  	_ =	shalt  }
0x4b: {  	_ =	shalt  }
0x4c: {  	_ =	shalt  }
0x4d: {  	_ =	shalt  }
0x4e: {  	_ =	shalt  }
0x4f: {  	_ =	shalt  }
0x50: {  	_ =	shalt  }
0x51: {  	_ =	shalt  }
0x52: {  	_ =	shalt  }
0x53: {  	_ =	shalt  }
0x54: {  	_ =	shalt  }
0x55: {  	_ =	shalt  }
0x56: {  	_ =	shalt  }
0x57: {  	_ =	shalt  }
0x58: {  	_ =	shalt  }
0x59: {  	_ =	shalt  }
0x5a: {  	_ =	shalt  }
0x5b: {  	_ =	shalt  }
0x5c: {  	_ =	shalt  }
0x5d: {  	_ =	shalt  }
0x5e: {  	_ =	shalt  }
0x5f: {  	_ =	shalt  }
0x60: {  	_ =	shalt  }
0x61: {  	_ =	shalt  }
0x62: {  	_ =	shalt  }
0x63: {  	_ =	shalt  }
0x64: {  	_ =	shalt  }
0x65: {  	_ =	shalt  }
0x66: {  	_ =	shalt  }
0x67: {  	_ =	shalt  }
0x68: {  	_ =	shalt  }
0x69: {  	_ =	shalt  }
0x6a: {  	_ =	shalt  }
0x6b: {  	_ =	shalt  }
0x6c: {  	_ =	shalt  }
0x6d: {  	_ =	shalt  }
0x6e: {  	_ =	shalt  }
0x6f: {  	_ =	shalt  }
0x70: {  	_ =	shalt  }
0x71: {  	_ =	shalt  }
0x72: {  	_ =	shalt  }
0x73: {  	_ =	shalt  }
0x74: {  	_ =	shalt  }
0x75: {  	_ =	shalt  }
0x76: {  	_ =	shalt  }
0x77: {  	_ =	shalt  }
0x78: {  	_ =	shalt  }
0x79: {  	_ =	shalt  }
0x7a: {  	_ =	shalt  }
0x7b: {  	_ =	shalt  }
0x7c: {  	_ =	shalt  }
0x7d: {  	_ =	shalt  }
0x7e: {  	_ =	shalt  }
0x7f: {  	_ =	shalt  }
0x80: {  	_ =	shalt  }
0x81: {  	_ =	shalt  }
0x82: {  	_ =	shalt  }
0x83: {  	_ =	shalt  }
0x84: {  	_ =	shalt  }
0x85: {  	_ =	shalt  }
0x86: {  	_ =	shalt  }
0x87: {  	_ =	shalt  }
.Lfunc_end0:
.L_simem_size_0:
called_computation_lowered:
.L_overlay_start_0:
0x88: {  	s2 =	sld [smem:$0x3FD9]  }
0x89: {  	s3 =	sld [smem:$0x3FFE];
	_ =	sdelay $0x1  }
0x8a: {  	s1 =	srdreg.scid  }
0x8b: {  	s0 =	sand.u32 $0x1, s1  }
0x8c: {  	s17 =	sshll.u32 s0, $0xA;
	s2 =	sadd.s32 s3, s2  }
0x8d: {  	s2 =	sadd.s32 s2, s17  }
0x8e: {  	[smem:$0x3FC5] =	sst s2  }
0x8f: {  	_ = 	snop  }
0x90: {  	s2 =	sld [smem:$0x3FD0];
	(tm) =	ssettm $0x1  }
0x91: {  	s18 =	sld [smem:$0x3FFB];
	_ =	sdelay $0x3  }
0x92: {  	_ =	strace s18  }
0x93: {  	s3 =	sld [smem:$0x3FFC];
	_ =	sdelay $0x3  }
0x94: {  	_ =	strace s3  }
0x95: {  	s3 =	sld [smem:$0x3FFD];
	_ =	sdelay $0x3  }
0x96: {  	_ =	strace s3  }
0x97: {  	_ =	strace $0x8FFFFFFF  }
0x98: {  	s19 =	sld [smem:$0x3FDB];
	_ =	sdelay $0x1  }
0x99: {  	s4 =	simm.s32 $_scs_section_size  }
0x9a: {  	s5 =	simm.s32 $_size__tile_overlayer_lowered;
	s6 =	simm.s32 $_tile_overlayer_lowered  }
0x9b: {  	s22 =	simm.s32 $0x1BFF;
	s21 =	sshll.u32 s6, $0x1;
	s3 =	sadd.s32 s4, s19  }
0x9c: {  	s7 =	simm.s32 $0x0;
	s20 =	sshll.u32 s5, $0x1;
	s5 =	sadd.s32 s21, s3  }
0x9d: {  	[timem:s7], [sflag:s22] =	dma.local [hbm:s5], s20  }
0x9e: {  	_ =	swait.ge [sflag:s22], s20  }
0x9f: {  	s4 =	ssub.s32 $0x0, s20;
	[sflag:s22] =	ssyncset.done $0x0  }
0xa0: {  	[sflag:s22] =	ssyncadd.s32 s4;
	_ =	sdelay $0x1  }
0xa1: {  	s23 =	simm.s32 $0x1B8B  }
0xa2: {  	_ =	swait.ge [sflag:s23], $0x1  }
0xa3: {  	[sflag:s23] =	ssyncset.done $0x0  }
0xa4: {  	s25 =	simm.s32 $0x1B8E;
	s24 =	sld [smem:$0x3FFE];
	[sflag:s23] =	ssyncadd.s32 $0xFFFFFFFF  }
0xa5: {  	s26 =	simm.s32 $execute0_lowered;
	[smem:$0x3FD2] =	sst s25  }
0xa6: {  	s5 =	sshll.u32 s26, $0x1;
	_ =	strace $0x80000046;
	[dreg:$0x1] =	wrdreg $0xFFFFFFFF  }
0xa7: {  	s28 =	simm.s32 $_size_execute0_lowered;
	s3 =	sadd.s32 s3, s5;
	[dreg:$0x0] =	wrdreg $0x0  }
0xa8: {  	s5 =	sshll.u32 s28, $0x1;
	[dreg:$0x2] =	wrdreg s3  }
0xa9: {  	[dreg:$0x3] =	wrdreg s5  }
0xaa: {  	[dreg:$0x4] =	wrdreg $0xC0  }
0xab: {  	_ =	task [dreg:s7], $0x5FFFF  }
0xac: {  	[dreg:$0x1] =	wrdreg $0xFFFFFFFF  }
0xad: {  	[dreg:$0x0] =	wrdreg $0x60  }
0xae: {  	[dreg:$0x2] =	wrdreg s24  }
0xaf: {  	[dreg:$0x3] =	wrdreg s2  }
0xb0: {  	[dreg:$0x4] =	wrdreg $0x9  }
0xb1: {  	_ =	task.clear_ibuf [dreg:s7], $0x5FFFF;
	_ =	strace $0x90000046  }
0xb2: {  	s29 =	simm.s32 $0x9;
	_ =	strace $0x80000048  }
0xb3: {  	_ =	swait.ge [sflag:s29], $0x1  }
0xb4: {  	[sflag:s29] =	ssyncadd.s32 $0xFFFFFFFF  }
0xb5: {  	_ =	strace $0x90000048  }
0xb6: {  	_ =	sfence  }
0xb7: {  	s30 =	sld [smem:$0x0];
	_ =	sdelay $0x2  }
0xb8: {  	s31 =	sshll.u32 s1, $0xD;
	s1 =	sshrl.u32 s1, $0x2  }
0xb9: {  	s3 =	sand.u32 $0x4000, s31;
	s1 =	sadd.s32 s1, s30  }
0xba: {  	s0 =	sor.u32 s3, s0;
	s1 =	sshll.u32 s1, $0x11  }
0xbb: {  	s0 =	sor.u32 s1, s0  }
0xbc: {  	s0 =	sadd.s32 $0x8F2B, s0  }
0xbd: {  	[sflag:s0] =	ssyncadd.remote.s32 $0x1  }
0xbe: {  	_ =	sfence.sel $0xFFFF  }
0xbf: {  	[dreg:$0x0] =	wrdreg $0xFFFFFFFF;
	(pc) =	sbr.abs _section_cstart, $3  }
0xc0: {  	[dreg:$0x1] =	wrdreg $0xFFFFFFFF  }
0xc1: {  	_ =	task.clear_ibuf [dreg:s7], $0x2FFFF;
	_ =	strace $0x9FFFFFFF  }
0xc2: {  	(tm) =	ssettm $0x7FFFFFFF  }
0xc3: {  	_ =	shalt  }
tec
execute0_lowered:
.L_overlay_start_1:
0x0: {  	(tag) =	ssettag $0x1  }
0x1: {  	s4 =	rddreg [dreg:$0x0]  }
0x2: {  	s9 =	rddreg [dreg:$0x1];
	s2 =	simm.s32 $0x0;
	s3 =	srdreg.scid  }
0x3: {  	s0 =	stileid.u32;
	s11 =	simm.s32 $0x80;
	s12 =	simm.s32 $0x6400  }
0x4: {  	s13 =	simm.s32 $0xA400;
	s14 =	simm.s32 $0x1;
	s15 =	simm.s32 $0xE400  }
0x5: {  	s16 =	simm.s32 $0x2;
	s17 =	simm.s32 $0x12400;
	s18 =	simm.s32 $0x3  }
0x6: {  	s19 =	simm.s32 $0x5;
	s20 =	simm.s32 $0x4;
	s21 =	simm.s32 $0x6  }
0x7: {  	s22 =	simm.s32 $0x7;
	s23 =	simm.s32 $0x8;
	s24 =	simm.s32 $0x0  }
0x8: {  	s3 =	sand.u32 $0x1, s3;
	s5 =	sshll.u32 s0, $0x1;
	s6 =	smul.u32 $0x640000, s0  }
0x9: {  	[smem:$0x7FF] =	sst s2;
	s5 =	sor.u32 s3, s5;
	s7 =	smul.u32 $0x320000, s3  }
0xa: {  	_ =	strace $0x80000047;
	s8 =	ssub.s32 $0x2, s3;
	s5 =	smul.u32 $0xC80, s5  }
0xb: {  	s3 =	sadd.s32 $0x19600, s4;
	s10 =	sshrl.u32 s8, $0x1;
	s7 =	sadd.s32 s7, s6  }
0xc: {  	s28 =	ssub.s32 s8, s10;
	s4 =	sadd.s32 s5, s4;
	s6 =	sor.u32 $0x4000, s7  }
.Ltmp0:
0xd: {  	s5 =	smax.u32 s28, $0x1;
	s30 =	sor.u32 $0xC000, s7;
	(pc) =	sbr.rel .LBB2_1-.Ltmp0, $4  }
0xe: {  	s31 =	sor.u32 $0x8000, s7;
	s7 =	sshrl.u32 s7, $0x3;
	s29 =	sadd.s32 $0x600, s4  }
0xf: {  	s6 =	sshrl.u32 s6, $0x3;
	s8 =	sshrl.u32 s30, $0x3;
	s10 =	sshrl.u32 s31, $0x3  }
0x10: {  	s7 =	sadd.s32 s7, s9;
	[dreg:$0x3] =	wrdreg s29;
	s6 =	sadd.s32 s6, s9  }
0x11: {  	s8 =	sadd.s32 s8, s9;
	s9 =	sadd.s32 s10, s9;
	s10 =	simm.s32 $0x9  }
.LBB2_4:
0x12: {  	s24 =	sadd.s32 $0x1, s24  }
0x13: {  	_ =	swait.ge [sflag:s22], $0x4000;
	p0 =	sne.s32 s24, s5  }
.Ltmp1:
0x14: {  	[sflag:s22] =	ssyncset.done $0x0;
	(pc) =	sbr.rel @!p0 .LBB2_5-.Ltmp1, $4  }
0x15: {  	[sflag:s22] =	ssyncadd.s32 $0xFFFFC000  }
0x16: {  	_ =	swait.ge [sflag:s23], $0x4000  }
0x17: {  	[sflag:s23] =	ssyncset.done $0x0  }
0x18: {  	[sflag:s23] =	ssyncadd.s32 $0xFFFFC000  }
.LBB2_1:
0x19: {  	s0 =	rddreg [dreg:$0x3]  }
0x1a: {  	[tilespmem:s2], [sflag:$0x9] =	stream.linear.gather [hbm4b:s0+s2], $0x6400, $0x38;
	[tilespmem:$0x16400] =	vst v63  }
0x1b: {  	_ =	swait.ge [sflag:s10], $0x6400  }
0x1c: {  	[sflag:s10] =	ssyncset.done $0x0  }
0x1d: {  	s25 =	smov.u32 s9;
	s26 =	smov.u32 s8;
	[sflag:s10] =	ssyncadd.s32 $0xFFFF9C00  }
0x1e: {  	[tilespmem:s12], [sflag:$0x1] =	stream.indirect.gather [hbm4b:s3+s11], $0x80, s2, s11, $0xb8;
	[tilespmem:$0x16400] =	vst v63  }
0x1f: {  	s28 =	smov.u32 s7;
	s29 =	smov.u32 s6;
	s30 =	simm.s32 $0x0  }
0x20: {  	[tilespmem:s13], [sflag:$0x2] =	stream.indirect.gather [hbm4b:s3+s11], $0x80, s11, s11, $0xb8;
	[tilespmem:$0x16400] =	vst v63  }
.LBB2_2:
0x21: {  	_ =	swait.ge [sflag:s14], $0x4000  }
0x22: {  	p0 =	seq.s32 s30, $0x0;
	[sflag:s14] =	ssyncset.done $0x0  }
0x23: {  	s0 =	simm.s32 @!p0 $0x7;
	[sflag:s14] =	ssyncadd.s32 $0xFFFFC000  }
0x24: {  	[hbm4b:s28+s2] =	stream.linear.scatter [tilespmem:s12], [sflag:$0x5], $0x4000, $0x38;
	[tilespmem:$0x16400] =	vst v63  }
0x25: {  	_ =	swait.ge @!p0 [sflag:s0], $0x4000  }
0x26: {  	s31 =	sshra.s32 s30, $0x2;
	[sflag:s0] =	ssyncset.done @!p0 $0x0  }
0x27: {  	s1 =	sadd.s32 $0x100, s31;
	[sflag:s0] =	ssyncadd.s32 @!p0 $0xFFFFC000  }
0x28: {  	[tilespmem:s15], [sflag:$0x3] =	stream.indirect.gather [hbm4b:s3+s11], $0x80, s1, s11, $0xb8;
	[tilespmem:$0x16400] =	vst v63  }
0x29: {  	_ =	swait.ge [sflag:s16], $0x4000  }
0x2a: {  	[sflag:s16] =	ssyncset.done $0x0  }
0x2b: {  	s0 =	simm.s32 @!p0 $0x8;
	[sflag:s16] =	ssyncadd.s32 $0xFFFFC000  }
0x2c: {  	[hbm4b:s29+s2] =	stream.linear.scatter [tilespmem:s13], [sflag:$0x6], $0x4000, $0x38;
	[tilespmem:$0x16400] =	vst v63  }
0x2d: {  	_ =	swait.ge @!p0 [sflag:s0], $0x4000  }
0x2e: {  	[sflag:s0] =	ssyncset.done @!p0 $0x0  }
0x2f: {  	s4 =	sadd.s32 $0x180, s31;
	[sflag:s0] =	ssyncadd.s32 @!p0 $0xFFFFC000  }
0x30: {  	[tilespmem:s17], [sflag:$0x4] =	stream.indirect.gather [hbm4b:s3+s11], $0x80, s4, s11, $0xb8;
	[tilespmem:$0x16400] =	vst v63  }
0x31: {  	_ =	swait.ge [sflag:s18], $0x4000  }
0x32: {  	[sflag:s18] =	ssyncset.done $0x0  }
0x33: {  	[sflag:s18] =	ssyncadd.s32 $0xFFFFC000  }
0x34: {  	[hbm4b:s25+s2] =	stream.linear.scatter [tilespmem:s15], [sflag:$0x7], $0x4000, $0x38;
	[tilespmem:$0x16400] =	vst v63  }
0x35: {  	p0 =	seq.s32 s30, $0x18800;
	_ =	swait.ge [sflag:s19], $0x4000  }
0x36: {  	s0 =	sshra.s32 @!p0 s30, $0x2;
	s1 =	simm.s32 @!p0 $0x80;
	[sflag:s19] =	ssyncset.done $0x0  }
0x37: {  	s4 =	simm.s32 @!p0 $0x6400;
	s0 =	sadd.s32 @!p0 $0x200, s0;
	[sflag:s19] =	ssyncadd.s32 $0xFFFFC000  }
0x38: {  	[tilespmem:s4], [sflag:$0x1] =	stream.indirect.gather @!p0 [hbm4b:s3+s1], $0x80, s0, s1, $0xb8;
	[tilespmem:$0x16400] =	vst v63  }
0x39: {  	_ =	swait.ge [sflag:s20], $0x4000  }
0x3a: {  	[sflag:s20] =	ssyncset.done $0x0  }
.Ltmp2:
0x3b: {  	[sflag:s20] =	ssyncadd.s32 $0xFFFFC000;
	(pc) =	sbr.rel @p0 .LBB2_4-.Ltmp2, $4  }
0x3c: {  	[hbm4b:s26+s2] =	stream.linear.scatter [tilespmem:s17], [sflag:$0x8], $0x4000, $0x38;
	[tilespmem:$0x16400] =	vst v63  }
0x3d: {  	_ =	swait.ge [sflag:s21], $0x4000  }
0x3e: {  	[sflag:s21] =	ssyncset.done $0x0  }
0x3f: {  	[sflag:s21] =	ssyncadd.s32 $0xFFFFC000  }
.Ltmp3:
0x40: {  	(pc) =	sbr.rel .LBB2_2-.Ltmp3, $4  }
0x41: {  	_ = 	snop  }
0x42: {  	s0 =	sadd.s32 $0x280, s31;
	s30 =	sadd.s32 $0x800, s30;
	s29 =	sadd.s32 $0x2000, s29  }
0x43: {  	s28 =	sadd.s32 $0x2000, s28;
	s26 =	sadd.s32 $0x2000, s26;
	s25 =	sadd.s32 $0x2000, s25  }
0x44: {  	[tilespmem:s13], [sflag:$0x2] =	stream.indirect.gather [hbm4b:s3+s11], $0x80, s0, s11, $0xb8;
	[tilespmem:$0x16400] =	vst v63  }
.LBB2_5:
0x45: {  	_ =	sfence.sel $0x180000  }
0x46: {  	[bflag:$0x0] =	sbarrier.arrive $0xFFFF  }
0x47: {  	_ =	strace $0x90000047  }
0x48: {  	s0 =	stileid.u32;
	[bflag:$0x2] =	sbarrier.arrive $0xFFFF  }
0x49: {  	p0 =	sne.s32 s0, $0x0;
	s0 =	rddreg [dreg:$0x2]  }
0x4a: {  	s0 =	sadd.s32 @!p0 $0x100000, s0  }
0x4b: {  	[sflag:s0] =	ssyncadd.tile.s32 @!p0 $0x1;
	_ =	shalt  }
.Lfunc_end2:
_tile_overlayer_lowered:
.L_overlay_start_2:
0x4c: {  	(tag) =	ssettag $0x2  }
0x4d: {  	s0 =	rddreg [dreg:$0x0];
	s2 =	stileid.u32  }
0x4e: {  	s1 =	rddreg [dreg:$0x1];
	p0 =	sne.s32 s2, $0x0  }
0x4f: {  	s3 =	rddreg [dreg:$0x2];
	[bflag:$0x3] =	sbarrier.arrive $0xFFFF;
	s2 =	simm.s32 @!p0 $0x1C09  }
0x50: {  	[timem:s3], [sflag:s2] =	dma.local @!p0 [hbm:s0], s1  }
0x51: {  	s0 =	simm.s32 @!p0 $0x9  }
0x52: {  	_ =	swait.ge @!p0 [sflag:s0], s1  }
0x53: {  	s1 =	ssub.s32 @!p0 $0x0, s1;
	[sflag:s0] =	ssyncset.done @!p0 $0x0  }
0x54: {  	[sflag:s0] =	ssyncadd.s32 @!p0 s1  }
0x55: {  	[bflag:$0x3] =	sbarrier.arrive $0xFFFF  }
0x56: {  	_ =	shalt  }

</sc_bundles>
